<compile_context>
chip_gen: v7x
topology: tpu7x:2x2x1
jax: 0.10.2.dev20260603
libtpu: 0.0.44.dev20260713+nightly
codegen_flags: <defaults>
</compile_context>

<pallas_src>
import functools

import jax
import jax.numpy as jnp
from jax import lax
from jax.experimental import pallas as pl
from jax.experimental.pallas import tpu as pltpu
from jax.experimental.pallas import tpu_sc as plsc

B = 1024
K = 100000
EPS = 0.1
LAMB = max(5.0, 1500.0 / (1.0 + 0.1 * 1))
COEFF = 1.0 / (1.0 + LAMB)

CHUNK = 2048
NCHUNK = (K + CHUNK - 1) // CHUNK
SUBT = CHUNK // 128

SC_CORES = 2
SC_SUBCORES = 16
NW = SC_CORES * SC_SUBCORES
BPW = B // NW
ROWW = 8


def _sc_gather_body(cos_hbm, phi_hbm, tgt_hbm, outc_hbm, outp_hbm,
                    tgt_v, idx_v, cval_v, pval_v, sem_c, sem_p):
    wid = lax.axis_index("s") * SC_CORES + lax.axis_index("c")
    base = wid * BPW
    pltpu.sync_copy(tgt_hbm.at[pl.ds(base, BPW)], tgt_v)
    for h in range(BPW // 16):
        t_r = tgt_v[pl.ds(h * 16, 16)]
        i_r = lax.iota(jnp.int32, 16) + (base + h * 16)
        idx_v[pl.ds(h * 16, 16)] = i_r * K + t_r
    dma_c = pltpu.async_copy(cos_hbm.at[idx_v], cval_v, sem_c)
    dma_p = pltpu.async_copy(phi_hbm.at[idx_v], pval_v, sem_p)
    dma_c.wait()
    dma_p.wait()
    pltpu.sync_copy(cval_v, outc_hbm.at[pl.ds(base, BPW)])
    pltpu.sync_copy(pval_v, outp_hbm.at[pl.ds(base, BPW)])


@functools.cache
def _sc_gather():
    return pl.kernel(
        _sc_gather_body,
        out_type=[jax.ShapeDtypeStruct((B,), jnp.float32),
                  jax.ShapeDtypeStruct((B,), jnp.float32)],
        mesh=plsc.VectorSubcoreMesh(core_axis_name="c", subcore_axis_name="s",
                                    num_cores=SC_CORES),
        scratch_types=[
            pltpu.VMEM((BPW,), jnp.int32),
            pltpu.VMEM((BPW,), jnp.int32),
            pltpu.VMEM((BPW,), jnp.float32),
            pltpu.VMEM((BPW,), jnp.float32),
            pltpu.SemaphoreType.DMA,
            pltpu.SemaphoreType.DMA,
        ],
    )


def _tc_body(cos_ref, ct_ref, pt_ref, out_ref, m_ref, s_ref, r_ref):
    c = pl.program_id(0)

    @pl.when(c == 0)
    def _init():
        m_ref[...] = jnp.full((B, 128), -jnp.inf, jnp.float32)
        s_ref[...] = jnp.zeros((B, 128), jnp.float32)
        r_ref[...] = jnp.zeros((B, 128), jnp.float32)

    x = cos_ref[...]
    io = lax.broadcasted_iota(jnp.int32, (B, 128), 1)
    rem = K - c * CHUNK
    tiles = []
    cm = jnp.full((B, 128), -jnp.inf, jnp.float32)
    for k in range(SUBT):
        xa = x[:, k * 128:(k + 1) * 128]
        valid = io < (rem - k * 128)
        xm = jnp.where(valid, xa, -jnp.inf)
        tiles.append((xm, jnp.where(valid, xa, 0.0)))
        cm = jnp.maximum(cm, xm)

    m_old = m_ref[...]
    m_new = jnp.maximum(m_old, cm)
    s = s_ref[...] * jnp.exp(m_old - m_new)
    r = r_ref[...]
    for xm, xz in tiles:
        s = s + jnp.exp(xm - m_new)
        r = r + xz
    m_ref[...] = m_new
    s_ref[...] = s
    r_ref[...] = r

    @pl.when(c == NCHUNK - 1)
    def _fin():
        m_row = jnp.max(m_new, axis=1, keepdims=True)
        s_row = jnp.sum(s * jnp.exp(m_new - m_row), axis=1, keepdims=True)
        r_row = jnp.sum(r, axis=1, keepdims=True)
        ct = ct_ref[...]
        pt = pt_ref[...]
        delta = (pt - ct) * COEFF
        ot = ct + delta
        m2 = jnp.maximum(m_row, ot)
        s2 = (s_row * jnp.exp(m_row - m2)
              + jnp.exp(ot - m2) - jnp.exp(ct - m2))
        lse = m2 + jnp.log(s2)
        per_row = ((1.0 - EPS) * (ot - lse)
                   + (EPS / K) * ((r_row + delta) - K * lse))
        out_ref[...] = -jnp.sum(per_row, keepdims=True) / B


_tc_rowstats = pl.pallas_call(
    _tc_body,
    grid=(NCHUNK,),
    in_specs=[
        pl.BlockSpec((B, CHUNK), lambda c: (0, c)),
        pl.BlockSpec((B, 1), lambda c: (0, 0)),
        pl.BlockSpec((B, 1), lambda c: (0, 0)),
    ],
    out_specs=pl.BlockSpec((1, 1), lambda c: (0, 0)),
    out_shape=jax.ShapeDtypeStruct((1, 1), jnp.float32),
    scratch_shapes=[
        pltpu.VMEM((B, 128), jnp.float32),
        pltpu.VMEM((B, 128), jnp.float32),
        pltpu.VMEM((B, 128), jnp.float32),
    ],
)


def kernel(cos_theta, phi_theta, targets):
    cos_elems = cos_theta.reshape(B * K)
    phi_elems = phi_theta.reshape(B * K)
    cos_t, phi_t = _sc_gather()(cos_elems, phi_elems, targets)
    loss = _tc_rowstats(cos_theta, cos_t.reshape(B, 1), phi_t.reshape(B, 1))
    return loss[0, 0]

# --- scband reference (transcript-rebuilt; emitter-appended) ---
"""Pipeline reference for scband-angular-label-smooth-49383533969998 (READ-ONLY COPY).

The authoritative reference and input builder live on the scoring server;
editing this copy changes nothing except your own understanding.
"""

import jax, jax.numpy as jnp
import numpy as np

BATCH = 1024
NUM_CLASSES = 100000
EPSILON = 0.1


def setup_inputs(seed: int = 0) -> dict:
    key = jax.random.key(seed)
    k1, k2, k3 = jax.random.split(key, 3)
    cos_theta = jax.random.normal(k1, (BATCH, NUM_CLASSES), dtype=jnp.float32)
    phi_theta = jax.random.normal(k2, (BATCH, NUM_CLASSES), dtype=jnp.float32)
    targets = jax.random.randint(k3, (BATCH,), 0, NUM_CLASSES, dtype=jnp.int32)
    return {"cos_theta": cos_theta, "phi_theta": phi_theta, "targets": targets}


def reference(cos_theta, phi_theta, targets):
    # First call: it = 1 -> lamb = max(5.0, 1500.0 / (1 + 0.1*1))
    it = 1
    lamb = max(5.0, 1500.0 / (1.0 + 0.1 * it))
    B, K = cos_theta.shape
    # one-hot via scatter-overwrite (index.scatter_(1, target, 1) in torch)
    onehot = jnp.zeros((B, K), dtype=cos_theta.dtype).at[jnp.arange(B), targets].set(1.0)
    coeff = 1.0 / (1.0 + lamb)
    # output = cos_theta; at target positions blend in phi_theta:
    # output[idx] -= cos_theta[idx]*coeff; output[idx] += phi_theta[idx]*coeff
    output = cos_theta + onehot * ((phi_theta - cos_theta) * coeff)
    logpt = jax.nn.log_softmax(output, axis=1)
    # label smoothing: y = (1 - eps) * onehot + eps / K
    smooth_targets = (1.0 - EPSILON) * onehot + EPSILON / K
    loss = -1.0 * (smooth_targets * logpt)
    loss = loss.mean(0).sum()
    return loss

if __name__ == "__main__":
    import jax
    _d = setup_inputs()
    print(jax.jit(kernel)(*tuple(_d.values())))

</pallas_src>

<mosaic_0001>
#map = affine_map<(d0, d1) -> (0)>
module attributes {stable_mosaic.version = 14 : i64} {
  func.func @_sc_gather_body(%arg0: i32, %arg1: i32, %arg2: memref<102400000xf32, #tpu.memory_space<hbm>>, %arg3: memref<102400000xf32, #tpu.memory_space<hbm>>, %arg4: memref<1024xi32, #tpu.memory_space<hbm>>, %arg5: memref<1024xf32, #tpu.memory_space<hbm>>, %arg6: memref<1024xf32, #tpu.memory_space<hbm>>, %arg7: memref<32xi32, #tpu.memory_space<vmem>>, %arg8: memref<32xi32, #tpu.memory_space<vmem>>, %arg9: memref<32xf32, #tpu.memory_space<vmem>>, %arg10: memref<32xf32, #tpu.memory_space<vmem>>, %arg11: memref<!tpu.dma_semaphore, #tpu.memory_space<semaphore_mem>>, %arg12: memref<!tpu.dma_semaphore, #tpu.memory_space<semaphore_mem>>) attributes {dimension_semantics = [#tpu.dimension_semantics<core_parallel>, #tpu.dimension_semantics<subcore_parallel>], iteration_bounds = array<i64: 2, 16>, scalar_prefetch = 0 : i64, scratch_operands = 6 : i64, tpu.core_type = #tpu.core_type<sc_vector_subcore>, window_params = [{transform_indices = #map}, {transform_indices = #map}, {transform_indices = #map}, {transform_indices = #map}, {transform_indices = #map}]} {
    %mul3A = arith.constant 2 : i32
    %mul3A_0 = arith.muli %arg1, %mul3A : i32
    %add3A = arith.addi %mul3A_0, %arg0 : i32
    %mul3A_1 = arith.constant 32 : i32
    %mul3A_2 = arith.muli %add3A, %mul3A_1 : i32
    "tpu.region"() ({
      %run_scoped3A = tpu.sem_alloc : memref<!tpu.dma_semaphore, #tpu.memory_space<semaphore_mem>>
      %dma_start3A_38 = tpu.memref_slice %arg4[%mul3A_2] : memref<1024xi32, #tpu.memory_space<hbm>> -> memref<32xi32, #tpu.memory_space<hbm>>
      %dma_start3A_39 = tpu.memref_slice %arg4[%mul3A_2] : memref<1024xi32, #tpu.memory_space<hbm>> -> memref<32xi32, #tpu.memory_space<hbm>>
      tpu.enqueue_dma source(%dma_start3A_39 : memref<32xi32, #tpu.memory_space<hbm>>) target(%arg7 : memref<32xi32, #tpu.memory_space<vmem>>) target_semaphore(%run_scoped3A : memref<!tpu.dma_semaphore, #tpu.memory_space<semaphore_mem>>)
      %dma_wait3A_40 = tpu.memref_slice %arg4[%mul3A_2] : memref<1024xi32, #tpu.memory_space<hbm>> -> memref<32xi32, #tpu.memory_space<hbm>>
      %dma_wait3A_41 = tpu.memref_slice %arg4[%mul3A_2] : memref<1024xi32, #tpu.memory_space<hbm>> -> memref<32xi32, #tpu.memory_space<hbm>>
      tpu.wait_dma2 semaphore(%run_scoped3A : memref<!tpu.dma_semaphore, #tpu.memory_space<semaphore_mem>>) src(%dma_wait3A_41 : memref<32xi32, #tpu.memory_space<hbm>>) dst(%arg7 : memref<32xi32, #tpu.memory_space<vmem>>)
      tpu.yield
    }) : () -> ()
    %get3A = arith.constant 0 : index
    %get3A_3 = tpu.vector_load %arg7[%get3A] {strides = array<i32>} : memref<32xi32, #tpu.memory_space<vmem>>, vector<16xi32>,
    %get3A_4 = vector.shape_cast %get3A_3 : vector<16xi32> to vector<16xi32>
    %iota3A = tpu.iota {dimensions = array<i32: 0>} : vector<16xi32>
    %add3A_5 = arith.constant 0 : i32
    %add3A_6 = arith.addi %mul3A_2, %add3A_5 : i32
    %add3A_7 = vector.broadcast %add3A_6 : i32 to vector<16xi32>
    %add3A_8 = arith.addi %iota3A, %add3A_7 : vector<16xi32>
    %mul3A_9 = arith.constant 100000 : i32
    %mul3A_10 = vector.broadcast %mul3A_9 : i32 to vector<16xi32>
    %mul3A_11 = arith.muli %add3A_8, %mul3A_10 : vector<16xi32>
    %add3A_12 = arith.addi %mul3A_11, %get3A_4 : vector<16xi32>
    %swap3A = arith.constant 0 : index
    %swap3A_13 = tpu.vector_load %arg8[%swap3A] {strides = array<i32>} : memref<32xi32, #tpu.memory_space<vmem>>, vector<16xi32>,
    %swap3A_14 = vector.shape_cast %swap3A_13 : vector<16xi32> to vector<16xi32>
    %swap3A_15 = vector.shape_cast %add3A_12 : vector<16xi32> to vector<16xi32>
    tpu.vector_store %arg8[%swap3A], %swap3A_15 {strides = array<i32>} : memref<32xi32, #tpu.memory_space<vmem>>, vector<16xi32>,
    %get3A_16 = arith.constant 16 : index
    %get3A_17 = tpu.vector_load %arg7[%get3A_16] {strides = array<i32>} : memref<32xi32, #tpu.memory_space<vmem>>, vector<16xi32>,
    %get3A_18 = vector.shape_cast %get3A_17 : vector<16xi32> to vector<16xi32>
    %iota3A_19 = tpu.iota {dimensions = array<i32: 0>} : vector<16xi32>
    %add3A_20 = arith.constant 16 : i32
    %add3A_21 = arith.addi %mul3A_2, %add3A_20 : i32
    %add3A_22 = vector.broadcast %add3A_21 : i32 to vector<16xi32>
    %add3A_23 = arith.addi %iota3A_19, %add3A_22 : vector<16xi32>
    %mul3A_24 = arith.constant 100000 : i32
    %mul3A_25 = vector.broadcast %mul3A_24 : i32 to vector<16xi32>
    %mul3A_26 = arith.muli %add3A_23, %mul3A_25 : vector<16xi32>
    %add3A_27 = arith.addi %mul3A_26, %get3A_18 : vector<16xi32>
    %swap3A_28 = arith.constant 16 : index
    %swap3A_29 = tpu.vector_load %arg8[%swap3A_28] {strides = array<i32>} : memref<32xi32, #tpu.memory_space<vmem>>, vector<16xi32>,
    %swap3A_30 = vector.shape_cast %swap3A_29 : vector<16xi32> to vector<16xi32>
    %swap3A_31 = vector.shape_cast %add3A_27 : vector<16xi32> to vector<16xi32>
    tpu.vector_store %arg8[%swap3A_28], %swap3A_31 {strides = array<i32>} : memref<32xi32, #tpu.memory_space<vmem>>, vector<16xi32>,
    %dma_start3A = arith.constant 0 : i32
    %dma_start3A_32 = tpu.memref_slice %arg2[%dma_start3A] : memref<102400000xf32, #tpu.memory_space<hbm>> -> memref<102400000xf32, #tpu.memory_space<hbm>>
    tpu.enqueue_indirect_dma source(%dma_start3A_32 : memref<102400000xf32, #tpu.memory_space<hbm>>) target(%arg9 : memref<32xf32, #tpu.memory_space<vmem>>) offsets(%arg8 : memref<32xi32, #tpu.memory_space<vmem>>) semaphore(%arg11 : memref<!tpu.dma_semaphore, #tpu.memory_space<semaphore_mem>>)
    %dma_start3A_33 = arith.constant 0 : i32
    %dma_start3A_34 = tpu.memref_slice %arg3[%dma_start3A_33] : memref<102400000xf32, #tpu.memory_space<hbm>> -> memref<102400000xf32, #tpu.memory_space<hbm>>
    tpu.enqueue_indirect_dma source(%dma_start3A_34 : memref<102400000xf32, #tpu.memory_space<hbm>>) target(%arg10 : memref<32xf32, #tpu.memory_space<vmem>>) offsets(%arg8 : memref<32xi32, #tpu.memory_space<vmem>>) semaphore(%arg12 : memref<!tpu.dma_semaphore, #tpu.memory_space<semaphore_mem>>)
    %dma_wait3A = arith.constant 0 : i32
    %dma_wait3A_35 = tpu.memref_slice %arg2[%dma_wait3A] : memref<102400000xf32, #tpu.memory_space<hbm>> -> memref<102400000xf32, #tpu.memory_space<hbm>>
    tpu.wait_indirect_dma semaphore(%arg11 : memref<!tpu.dma_semaphore, #tpu.memory_space<semaphore_mem>>) src(%dma_wait3A_35 : memref<102400000xf32, #tpu.memory_space<hbm>>) dst(%arg9 : memref<32xf32, #tpu.memory_space<vmem>>)
    %dma_wait3A_36 = arith.constant 0 : i32
    %dma_wait3A_37 = tpu.memref_slice %arg3[%dma_wait3A_36] : memref<102400000xf32, #tpu.memory_space<hbm>> -> memref<102400000xf32, #tpu.memory_space<hbm>>
    tpu.wait_indirect_dma semaphore(%arg12 : memref<!tpu.dma_semaphore, #tpu.memory_space<semaphore_mem>>) src(%dma_wait3A_37 : memref<102400000xf32, #tpu.memory_space<hbm>>) dst(%arg10 : memref<32xf32, #tpu.memory_space<vmem>>)
    "tpu.region"() ({
      %run_scoped3A = tpu.sem_alloc : memref<!tpu.dma_semaphore, #tpu.memory_space<semaphore_mem>>
      %dma_start3A_38 = tpu.memref_slice %arg5[%mul3A_2] : memref<1024xf32, #tpu.memory_space<hbm>> -> memref<32xf32, #tpu.memory_space<hbm>>
      %dma_start3A_39 = tpu.memref_slice %arg5[%mul3A_2] : memref<1024xf32, #tpu.memory_space<hbm>> -> memref<32xf32, #tpu.memory_space<hbm>>
      tpu.enqueue_dma source(%arg9 : memref<32xf32, #tpu.memory_space<vmem>>) target(%dma_start3A_39 : memref<32xf32, #tpu.memory_space<hbm>>) target_semaphore(%run_scoped3A : memref<!tpu.dma_semaphore, #tpu.memory_space<semaphore_mem>>)
      %dma_wait3A_40 = tpu.memref_slice %arg5[%mul3A_2] : memref<1024xf32, #tpu.memory_space<hbm>> -> memref<32xf32, #tpu.memory_space<hbm>>
      %dma_wait3A_41 = tpu.memref_slice %arg5[%mul3A_2] : memref<1024xf32, #tpu.memory_space<hbm>> -> memref<32xf32, #tpu.memory_space<hbm>>
      tpu.wait_dma2 semaphore(%run_scoped3A : memref<!tpu.dma_semaphore, #tpu.memory_space<semaphore_mem>>) src(%arg9 : memref<32xf32, #tpu.memory_space<vmem>>) dst(%dma_wait3A_41 : memref<32xf32, #tpu.memory_space<hbm>>)
      tpu.yield
    }) : () -> ()
    "tpu.region"() ({
      %run_scoped3A = tpu.sem_alloc : memref<!tpu.dma_semaphore, #tpu.memory_space<semaphore_mem>>
      %dma_start3A_38 = tpu.memref_slice %arg6[%mul3A_2] : memref<1024xf32, #tpu.memory_space<hbm>> -> memref<32xf32, #tpu.memory_space<hbm>>
      %dma_start3A_39 = tpu.memref_slice %arg6[%mul3A_2] : memref<1024xf32, #tpu.memory_space<hbm>> -> memref<32xf32, #tpu.memory_space<hbm>>
      tpu.enqueue_dma source(%arg10 : memref<32xf32, #tpu.memory_space<vmem>>) target(%dma_start3A_39 : memref<32xf32, #tpu.memory_space<hbm>>) target_semaphore(%run_scoped3A : memref<!tpu.dma_semaphore, #tpu.memory_space<semaphore_mem>>)
      %dma_wait3A_40 = tpu.memref_slice %arg6[%mul3A_2] : memref<1024xf32, #tpu.memory_space<hbm>> -> memref<32xf32, #tpu.memory_space<hbm>>
      %dma_wait3A_41 = tpu.memref_slice %arg6[%mul3A_2] : memref<1024xf32, #tpu.memory_space<hbm>> -> memref<32xf32, #tpu.memory_space<hbm>>
      tpu.wait_dma2 semaphore(%run_scoped3A : memref<!tpu.dma_semaphore, #tpu.memory_space<semaphore_mem>>) src(%arg10 : memref<32xf32, #tpu.memory_space<vmem>>) dst(%dma_wait3A_41 : memref<32xf32, #tpu.memory_space<hbm>>)
      tpu.yield
    }) : () -> ()
    return
  }
}

module attributes {stable_mosaic.version = 14 : i64} {
  func.func @_tc_body(%arg0: i32, %arg1: memref<1024x2048xf32, #tpu.memory_space<vmem>>, %arg2: memref<1024x1xf32, #tpu.memory_space<vmem>>, %arg3: memref<1024x1xf32, #tpu.memory_space<vmem>>, %arg4: memref<1x1xf32, #tpu.memory_space<vmem>>, %arg5: memref<1024x128xf32, #tpu.memory_space<vmem>>, %arg6: memref<1024x128xf32, #tpu.memory_space<vmem>>, %arg7: memref<1024x128xf32, #tpu.memory_space<vmem>>) attributes {dimension_semantics = [#tpu.dimension_semantics<arbitrary>], iteration_bounds = array<i64: 49>, scalar_prefetch = 0 : i64, scratch_operands = 3 : i64, tpu.core_type = #tpu.core_type<tc>, window_params = [{transform_indices = @transform_0, window_bounds = array<i64: 1024, 2048>}, {pipeline_mode = #tpu.pipeline_mode<synchronous>, transform_indices = @transform_1, window_bounds = array<i64: 1024, 1>}, {pipeline_mode = #tpu.pipeline_mode<synchronous>, transform_indices = @transform_2, window_bounds = array<i64: 1024, 1>}, {pipeline_mode = #tpu.pipeline_mode<synchronous>, transform_indices = @transform_3, window_bounds = array<i64: 1, 1>}]} {
    %eq3A = arith.constant 0 : i32
    %eq3A_0 = arith.cmpi eq, %arg0, %eq3A : i32
    %convert_element_type3A = arith.extui %eq3A_0 : i1 to i32
    %cond3A = arith.constant 0 : i32
    %cond3A_1 = arith.cmpi ne, %convert_element_type3A, %cond3A : i32
    scf.if %cond3A_1 {
      %broadcast_in_dim3A_282 = arith.constant 0xFF800000 : f32
      %broadcast_in_dim3A_283 = vector.broadcast %broadcast_in_dim3A_282 : f32 to vector<1024x128xf32>
      %swap3A_284 = arith.constant 0 : index
      %swap3A_285 = arith.constant 0 : index
      %swap3A_286 = vector.load %arg5[%swap3A_284, %swap3A_285] : memref<1024x128xf32, #tpu.memory_space<vmem>>, vector<1024x128xf32>
      tpu.vector_store %arg5[%swap3A_284, %swap3A_285], %broadcast_in_dim3A_283 {strides = array<i32>} : memref<1024x128xf32, #tpu.memory_space<vmem>>, vector<1024x128xf32>,
      %broadcast_in_dim3A_287 = arith.constant 0.000000e+00 : f32
      %broadcast_in_dim3A_288 = vector.broadcast %broadcast_in_dim3A_287 : f32 to vector<1024x128xf32>
      %swap3A_289 = arith.constant 0 : index
      %swap3A_290 = arith.constant 0 : index
      %swap3A_291 = vector.load %arg6[%swap3A_289, %swap3A_290] : memref<1024x128xf32, #tpu.memory_space<vmem>>, vector<1024x128xf32>
      tpu.vector_store %arg6[%swap3A_289, %swap3A_290], %broadcast_in_dim3A_288 {strides = array<i32>} : memref<1024x128xf32, #tpu.memory_space<vmem>>, vector<1024x128xf32>,
      %broadcast_in_dim3A_292 = arith.constant 0.000000e+00 : f32
      %broadcast_in_dim3A_293 = vector.broadcast %broadcast_in_dim3A_292 : f32 to vector<1024x128xf32>
      %swap3A_294 = arith.constant 0 : index
      %swap3A_295 = arith.constant 0 : index
      %swap3A_296 = vector.load %arg7[%swap3A_294, %swap3A_295] : memref<1024x128xf32, #tpu.memory_space<vmem>>, vector<1024x128xf32>
      tpu.vector_store %arg7[%swap3A_294, %swap3A_295], %broadcast_in_dim3A_293 {strides = array<i32>} : memref<1024x128xf32, #tpu.memory_space<vmem>>, vector<1024x128xf32>,
    } else {
    }
    %get3A = arith.constant 0 : index
    %get3A_2 = arith.constant 0 : index
    %get3A_3 = vector.load %arg1[%get3A, %get3A_2] : memref<1024x2048xf32, #tpu.memory_space<vmem>>, vector<1024x2048xf32>
    %iota3A = tpu.iota {dimensions = array<i32: 1>} : vector<1024x128xi32>
    %mul3A = arith.constant 2048 : i32
    %mul3A_4 = arith.muli %arg0, %mul3A : i32
    %sub3A = arith.constant 100000 : i32
    %sub3A_5 = arith.subi %sub3A, %mul3A_4 : i32
    %broadcast_in_dim3A = arith.constant 0xFF800000 : f32
    %broadcast_in_dim3A_6 = vector.broadcast %broadcast_in_dim3A : f32 to vector<1024x128xf32>
    %slice3A = vector.extract_strided_slice %get3A_3 {offsets = [0, 0], sizes = [1024, 128], strides = [1, 1]} : vector<1024x2048xf32> to vector<1024x128xf32>
    %sub3A_7 = arith.constant 0 : i32
    %sub3A_8 = arith.subi %sub3A_5, %sub3A_7 : i32
    %lt3A = vector.broadcast %sub3A_8 : i32 to vector<1024x128xi32>
    %lt3A_9 = arith.cmpi slt, %iota3A, %lt3A : vector<1024x128xi32>
    %jit3A = arith.constant 0xFF800000 : f32
    %broadcast_in_dim3A_10 = vector.broadcast %jit3A : f32 to vector<1024x128xf32>
    %select_n3A = arith.select %lt3A_9, %slice3A, %broadcast_in_dim3A_10 : vector<1024x128xi1>, vector<1024x128xf32>
    %jit3A_11 = arith.constant 0.000000e+00 : f32
    %broadcast_in_dim3A_12 = vector.broadcast %jit3A_11 : f32 to vector<1024x128xf32>
    %select_n3A_13 = arith.select %lt3A_9, %slice3A, %broadcast_in_dim3A_12 : vector<1024x128xi1>, vector<1024x128xf32>
    %max3A = arith.maximumf %broadcast_in_dim3A_6, %select_n3A : vector<1024x128xf32>
    %slice3A_14 = vector.extract_strided_slice %get3A_3 {offsets = [0, 128], sizes = [1024, 128], strides = [1, 1]} : vector<1024x2048xf32> to vector<1024x128xf32>
    %sub3A_15 = arith.constant 128 : i32
    %sub3A_16 = arith.subi %sub3A_5, %sub3A_15 : i32
    %lt3A_17 = vector.broadcast %sub3A_16 : i32 to vector<1024x128xi32>
    %lt3A_18 = arith.cmpi slt, %iota3A, %lt3A_17 : vector<1024x128xi32>
    %jit3A_19 = arith.constant 0xFF800000 : f32
    %broadcast_in_dim3A_20 = vector.broadcast %jit3A_19 : f32 to vector<1024x128xf32>
    %select_n3A_21 = arith.select %lt3A_18, %slice3A_14, %broadcast_in_dim3A_20 : vector<1024x128xi1>, vector<1024x128xf32>
    %jit3A_22 = arith.constant 0.000000e+00 : f32
    %broadcast_in_dim3A_23 = vector.broadcast %jit3A_22 : f32 to vector<1024x128xf32>
    %select_n3A_24 = arith.select %lt3A_18, %slice3A_14, %broadcast_in_dim3A_23 : vector<1024x128xi1>, vector<1024x128xf32>
    %max3A_25 = arith.maximumf %max3A, %select_n3A_21 : vector<1024x128xf32>
    %slice3A_26 = vector.extract_strided_slice %get3A_3 {offsets = [0, 256], sizes = [1024, 128], strides = [1, 1]} : vector<1024x2048xf32> to vector<1024x128xf32>
    %sub3A_27 = arith.constant 256 : i32
    %sub3A_28 = arith.subi %sub3A_5, %sub3A_27 : i32
    %lt3A_29 = vector.broadcast %sub3A_28 : i32 to vector<1024x128xi32>
    %lt3A_30 = arith.cmpi slt, %iota3A, %lt3A_29 : vector<1024x128xi32>
    %jit3A_31 = arith.constant 0xFF800000 : f32
    %broadcast_in_dim3A_32 = vector.broadcast %jit3A_31 : f32 to vector<1024x128xf32>
    %select_n3A_33 = arith.select %lt3A_30, %slice3A_26, %broadcast_in_dim3A_32 : vector<1024x128xi1>, vector<1024x128xf32>
    %jit3A_34 = arith.constant 0.000000e+00 : f32
    %broadcast_in_dim3A_35 = vector.broadcast %jit3A_34 : f32 to vector<1024x128xf32>
    %select_n3A_36 = arith.select %lt3A_30, %slice3A_26, %broadcast_in_dim3A_35 : vector<1024x128xi1>, vector<1024x128xf32>
    %max3A_37 = arith.maximumf %max3A_25, %select_n3A_33 : vector<1024x128xf32>
    %slice3A_38 = vector.extract_strided_slice %get3A_3 {offsets = [0, 384], sizes = [1024, 128], strides = [1, 1]} : vector<1024x2048xf32> to vector<1024x128xf32>
    %sub3A_39 = arith.constant 384 : i32
    %sub3A_40 = arith.subi %sub3A_5, %sub3A_39 : i32
    %lt3A_41 = vector.broadcast %sub3A_40 : i32 to vector<1024x128xi32>
    %lt3A_42 = arith.cmpi slt, %iota3A, %lt3A_41 : vector<1024x128xi32>
    %jit3A_43 = arith.constant 0xFF800000 : f32
    %broadcast_in_dim3A_44 = vector.broadcast %jit3A_43 : f32 to vector<1024x128xf32>
    %select_n3A_45 = arith.select %lt3A_42, %slice3A_38, %broadcast_in_dim3A_44 : vector<1024x128xi1>, vector<1024x128xf32>
    %jit3A_46 = arith.constant 0.000000e+00 : f32
    %broadcast_in_dim3A_47 = vector.broadcast %jit3A_46 : f32 to vector<1024x128xf32>
    %select_n3A_48 = arith.select %lt3A_42, %slice3A_38, %broadcast_in_dim3A_47 : vector<1024x128xi1>, vector<1024x128xf32>
    %max3A_49 = arith.maximumf %max3A_37, %select_n3A_45 : vector<1024x128xf32>
    %slice3A_50 = vector.extract_strided_slice %get3A_3 {offsets = [0, 512], sizes = [1024, 128], strides = [1, 1]} : vector<1024x2048xf32> to vector<1024x128xf32>
    %sub3A_51 = arith.constant 512 : i32
    %sub3A_52 = arith.subi %sub3A_5, %sub3A_51 : i32
    %lt3A_53 = vector.broadcast %sub3A_52 : i32 to vector<1024x128xi32>
    %lt3A_54 = arith.cmpi slt, %iota3A, %lt3A_53 : vector<1024x128xi32>
    %jit3A_55 = arith.constant 0xFF800000 : f32
    %broadcast_in_dim3A_56 = vector.broadcast %jit3A_55 : f32 to vector<1024x128xf32>
    %select_n3A_57 = arith.select %lt3A_54, %slice3A_50, %broadcast_in_dim3A_56 : vector<1024x128xi1>, vector<1024x128xf32>
    %jit3A_58 = arith.constant 0.000000e+00 : f32
    %broadcast_in_dim3A_59 = vector.broadcast %jit3A_58 : f32 to vector<1024x128xf32>
    %select_n3A_60 = arith.select %lt3A_54, %slice3A_50, %broadcast_in_dim3A_59 : vector<1024x128xi1>, vector<1024x128xf32>
    %max3A_61 = arith.maximumf %max3A_49, %select_n3A_57 : vector<1024x128xf32>
    %slice3A_62 = vector.extract_strided_slice %get3A_3 {offsets = [0, 640], sizes = [1024, 128], strides = [1, 1]} : vector<1024x2048xf32> to vector<1024x128xf32>
    %sub3A_63 = arith.constant 640 : i32
    %sub3A_64 = arith.subi %sub3A_5, %sub3A_63 : i32
    %lt3A_65 = vector.broadcast %sub3A_64 : i32 to vector<1024x128xi32>
    %lt3A_66 = arith.cmpi slt, %iota3A, %lt3A_65 : vector<1024x128xi32>
    %jit3A_67 = arith.constant 0xFF800000 : f32
    %broadcast_in_dim3A_68 = vector.broadcast %jit3A_67 : f32 to vector<1024x128xf32>
    %select_n3A_69 = arith.select %lt3A_66, %slice3A_62, %broadcast_in_dim3A_68 : vector<1024x128xi1>, vector<1024x128xf32>
    %jit3A_70 = arith.constant 0.000000e+00 : f32
    %broadcast_in_dim3A_71 = vector.broadcast %jit3A_70 : f32 to vector<1024x128xf32>
    %select_n3A_72 = arith.select %lt3A_66, %slice3A_62, %broadcast_in_dim3A_71 : vector<1024x128xi1>, vector<1024x128xf32>
    %max3A_73 = arith.maximumf %max3A_61, %select_n3A_69 : vector<1024x128xf32>
    %slice3A_74 = vector.extract_strided_slice %get3A_3 {offsets = [0, 768], sizes = [1024, 128], strides = [1, 1]} : vector<1024x2048xf32> to vector<1024x128xf32>
    %sub3A_75 = arith.constant 768 : i32
    %sub3A_76 = arith.subi %sub3A_5, %sub3A_75 : i32
    %lt3A_77 = vector.broadcast %sub3A_76 : i32 to vector<1024x128xi32>
    %lt3A_78 = arith.cmpi slt, %iota3A, %lt3A_77 : vector<1024x128xi32>
    %jit3A_79 = arith.constant 0xFF800000 : f32
    %broadcast_in_dim3A_80 = vector.broadcast %jit3A_79 : f32 to vector<1024x128xf32>
    %select_n3A_81 = arith.select %lt3A_78, %slice3A_74, %broadcast_in_dim3A_80 : vector<1024x128xi1>, vector<1024x128xf32>
    %jit3A_82 = arith.constant 0.000000e+00 : f32
    %broadcast_in_dim3A_83 = vector.broadcast %jit3A_82 : f32 to vector<1024x128xf32>
    %select_n3A_84 = arith.select %lt3A_78, %slice3A_74, %broadcast_in_dim3A_83 : vector<1024x128xi1>, vector<1024x128xf32>
    %max3A_85 = arith.maximumf %max3A_73, %select_n3A_81 : vector<1024x128xf32>
    %slice3A_86 = vector.extract_strided_slice %get3A_3 {offsets = [0, 896], sizes = [1024, 128], strides = [1, 1]} : vector<1024x2048xf32> to vector<1024x128xf32>
    %sub3A_87 = arith.constant 896 : i32
    %sub3A_88 = arith.subi %sub3A_5, %sub3A_87 : i32
    %lt3A_89 = vector.broadcast %sub3A_88 : i32 to vector<1024x128xi32>
    %lt3A_90 = arith.cmpi slt, %iota3A, %lt3A_89 : vector<1024x128xi32>
    %jit3A_91 = arith.constant 0xFF800000 : f32
    %broadcast_in_dim3A_92 = vector.broadcast %jit3A_91 : f32 to vector<1024x128xf32>
    %select_n3A_93 = arith.select %lt3A_90, %slice3A_86, %broadcast_in_dim3A_92 : vector<1024x128xi1>, vector<1024x128xf32>
    %jit3A_94 = arith.constant 0.000000e+00 : f32
    %broadcast_in_dim3A_95 = vector.broadcast %jit3A_94 : f32 to vector<1024x128xf32>
    %select_n3A_96 = arith.select %lt3A_90, %slice3A_86, %broadcast_in_dim3A_95 : vector<1024x128xi1>, vector<1024x128xf32>
    %max3A_97 = arith.maximumf %max3A_85, %select_n3A_93 : vector<1024x128xf32>
    %slice3A_98 = vector.extract_strided_slice %get3A_3 {offsets = [0, 1024], sizes = [1024, 128], strides = [1, 1]} : vector<1024x2048xf32> to vector<1024x128xf32>
    %sub3A_99 = arith.constant 1024 : i32
    %sub3A_100 = arith.subi %sub3A_5, %sub3A_99 : i32
    %lt3A_101 = vector.broadcast %sub3A_100 : i32 to vector<1024x128xi32>
    %lt3A_102 = arith.cmpi slt, %iota3A, %lt3A_101 : vector<1024x128xi32>
    %jit3A_103 = arith.constant 0xFF800000 : f32
    %broadcast_in_dim3A_104 = vector.broadcast %jit3A_103 : f32 to vector<1024x128xf32>
    %select_n3A_105 = arith.select %lt3A_102, %slice3A_98, %broadcast_in_dim3A_104 : vector<1024x128xi1>, vector<1024x128xf32>
    %jit3A_106 = arith.constant 0.000000e+00 : f32
    %broadcast_in_dim3A_107 = vector.broadcast %jit3A_106 : f32 to vector<1024x128xf32>
    %select_n3A_108 = arith.select %lt3A_102, %slice3A_98, %broadcast_in_dim3A_107 : vector<1024x128xi1>, vector<1024x128xf32>
    %max3A_109 = arith.maximumf %max3A_97, %select_n3A_105 : vector<1024x128xf32>
    %slice3A_110 = vector.extract_strided_slice %get3A_3 {offsets = [0, 1152], sizes = [1024, 128], strides = [1, 1]} : vector<1024x2048xf32> to vector<1024x128xf32>
    %sub3A_111 = arith.constant 1152 : i32
    %sub3A_112 = arith.subi %sub3A_5, %sub3A_111 : i32
    %lt3A_113 = vector.broadcast %sub3A_112 : i32 to vector<1024x128xi32>
    %lt3A_114 = arith.cmpi slt, %iota3A, %lt3A_113 : vector<1024x128xi32>
    %jit3A_115 = arith.constant 0xFF800000 : f32
    %broadcast_in_dim3A_116 = vector.broadcast %jit3A_115 : f32 to vector<1024x128xf32>
    %select_n3A_117 = arith.select %lt3A_114, %slice3A_110, %broadcast_in_dim3A_116 : vector<1024x128xi1>, vector<1024x128xf32>
    %jit3A_118 = arith.constant 0.000000e+00 : f32
    %broadcast_in_dim3A_119 = vector.broadcast %jit3A_118 : f32 to vector<1024x128xf32>
    %select_n3A_120 = arith.select %lt3A_114, %slice3A_110, %broadcast_in_dim3A_119 : vector<1024x128xi1>, vector<1024x128xf32>
    %max3A_121 = arith.maximumf %max3A_109, %select_n3A_117 : vector<1024x128xf32>
    %slice3A_122 = vector.extract_strided_slice %get3A_3 {offsets = [0, 1280], sizes = [1024, 128], strides = [1, 1]} : vector<1024x2048xf32> to vector<1024x128xf32>
    %sub3A_123 = arith.constant 1280 : i32
    %sub3A_124 = arith.subi %sub3A_5, %sub3A_123 : i32
    %lt3A_125 = vector.broadcast %sub3A_124 : i32 to vector<1024x128xi32>
    %lt3A_126 = arith.cmpi slt, %iota3A, %lt3A_125 : vector<1024x128xi32>
    %jit3A_127 = arith.constant 0xFF800000 : f32
    %broadcast_in_dim3A_128 = vector.broadcast %jit3A_127 : f32 to vector<1024x128xf32>
    %select_n3A_129 = arith.select %lt3A_126, %slice3A_122, %broadcast_in_dim3A_128 : vector<1024x128xi1>, vector<1024x128xf32>
    %jit3A_130 = arith.constant 0.000000e+00 : f32
    %broadcast_in_dim3A_131 = vector.broadcast %jit3A_130 : f32 to vector<1024x128xf32>
    %select_n3A_132 = arith.select %lt3A_126, %slice3A_122, %broadcast_in_dim3A_131 : vector<1024x128xi1>, vector<1024x128xf32>
    %max3A_133 = arith.maximumf %max3A_121, %select_n3A_129 : vector<1024x128xf32>
    %slice3A_134 = vector.extract_strided_slice %get3A_3 {offsets = [0, 1408], sizes = [1024, 128], strides = [1, 1]} : vector<1024x2048xf32> to vector<1024x128xf32>
    %sub3A_135 = arith.constant 1408 : i32
    %sub3A_136 = arith.subi %sub3A_5, %sub3A_135 : i32
    %lt3A_137 = vector.broadcast %sub3A_136 : i32 to vector<1024x128xi32>
    %lt3A_138 = arith.cmpi slt, %iota3A, %lt3A_137 : vector<1024x128xi32>
    %jit3A_139 = arith.constant 0xFF800000 : f32
    %broadcast_in_dim3A_140 = vector.broadcast %jit3A_139 : f32 to vector<1024x128xf32>
    %select_n3A_141 = arith.select %lt3A_138, %slice3A_134, %broadcast_in_dim3A_140 : vector<1024x128xi1>, vector<1024x128xf32>
    %jit3A_142 = arith.constant 0.000000e+00 : f32
    %broadcast_in_dim3A_143 = vector.broadcast %jit3A_142 : f32 to vector<1024x128xf32>
    %select_n3A_144 = arith.select %lt3A_138, %slice3A_134, %broadcast_in_dim3A_143 : vector<1024x128xi1>, vector<1024x128xf32>
    %max3A_145 = arith.maximumf %max3A_133, %select_n3A_141 : vector<1024x128xf32>
    %slice3A_146 = vector.extract_strided_slice %get3A_3 {offsets = [0, 1536], sizes = [1024, 128], strides = [1, 1]} : vector<1024x2048xf32> to vector<1024x128xf32>
    %sub3A_147 = arith.constant 1536 : i32
    %sub3A_148 = arith.subi %sub3A_5, %sub3A_147 : i32
    %lt3A_149 = vector.broadcast %sub3A_148 : i32 to vector<1024x128xi32>
    %lt3A_150 = arith.cmpi slt, %iota3A, %lt3A_149 : vector<1024x128xi32>
    %jit3A_151 = arith.constant 0xFF800000 : f32
    %broadcast_in_dim3A_152 = vector.broadcast %jit3A_151 : f32 to vector<1024x128xf32>
    %select_n3A_153 = arith.select %lt3A_150, %slice3A_146, %broadcast_in_dim3A_152 : vector<1024x128xi1>, vector<1024x128xf32>
    %jit3A_154 = arith.constant 0.000000e+00 : f32
    %broadcast_in_dim3A_155 = vector.broadcast %jit3A_154 : f32 to vector<1024x128xf32>
    %select_n3A_156 = arith.select %lt3A_150, %slice3A_146, %broadcast_in_dim3A_155 : vector<1024x128xi1>, vector<1024x128xf32>
    %max3A_157 = arith.maximumf %max3A_145, %select_n3A_153 : vector<1024x128xf32>
    %slice3A_158 = vector.extract_strided_slice %get3A_3 {offsets = [0, 1664], sizes = [1024, 128], strides = [1, 1]} : vector<1024x2048xf32> to vector<1024x128xf32>
    %sub3A_159 = arith.constant 1664 : i32
    %sub3A_160 = arith.subi %sub3A_5, %sub3A_159 : i32
    %lt3A_161 = vector.broadcast %sub3A_160 : i32 to vector<1024x128xi32>
    %lt3A_162 = arith.cmpi slt, %iota3A, %lt3A_161 : vector<1024x128xi32>
    %jit3A_163 = arith.constant 0xFF800000 : f32
    %broadcast_in_dim3A_164 = vector.broadcast %jit3A_163 : f32 to vector<1024x128xf32>
    %select_n3A_165 = arith.select %lt3A_162, %slice3A_158, %broadcast_in_dim3A_164 : vector<1024x128xi1>, vector<1024x128xf32>
    %jit3A_166 = arith.constant 0.000000e+00 : f32
    %broadcast_in_dim3A_167 = vector.broadcast %jit3A_166 : f32 to vector<1024x128xf32>
    %select_n3A_168 = arith.select %lt3A_162, %slice3A_158, %broadcast_in_dim3A_167 : vector<1024x128xi1>, vector<1024x128xf32>
    %max3A_169 = arith.maximumf %max3A_157, %select_n3A_165 : vector<1024x128xf32>
    %slice3A_170 = vector.extract_strided_slice %get3A_3 {offsets = [0, 1792], sizes = [1024, 128], strides = [1, 1]} : vector<1024x2048xf32> to vector<1024x128xf32>
    %sub3A_171 = arith.constant 1792 : i32
    %sub3A_172 = arith.subi %sub3A_5, %sub3A_171 : i32
    %lt3A_173 = vector.broadcast %sub3A_172 : i32 to vector<1024x128xi32>
    %lt3A_174 = arith.cmpi slt, %iota3A, %lt3A_173 : vector<1024x128xi32>
    %jit3A_175 = arith.constant 0xFF800000 : f32
    %broadcast_in_dim3A_176 = vector.broadcast %jit3A_175 : f32 to vector<1024x128xf32>
    %select_n3A_177 = arith.select %lt3A_174, %slice3A_170, %broadcast_in_dim3A_176 : vector<1024x128xi1>, vector<1024x128xf32>
    %jit3A_178 = arith.constant 0.000000e+00 : f32
    %broadcast_in_dim3A_179 = vector.broadcast %jit3A_178 : f32 to vector<1024x128xf32>
    %select_n3A_180 = arith.select %lt3A_174, %slice3A_170, %broadcast_in_dim3A_179 : vector<1024x128xi1>, vector<1024x128xf32>
    %max3A_181 = arith.maximumf %max3A_169, %select_n3A_177 : vector<1024x128xf32>
    %slice3A_182 = vector.extract_strided_slice %get3A_3 {offsets = [0, 1920], sizes = [1024, 128], strides = [1, 1]} : vector<1024x2048xf32> to vector<1024x128xf32>
    %sub3A_183 = arith.constant 1920 : i32
    %sub3A_184 = arith.subi %sub3A_5, %sub3A_183 : i32
    %lt3A_185 = vector.broadcast %sub3A_184 : i32 to vector<1024x128xi32>
    %lt3A_186 = arith.cmpi slt, %iota3A, %lt3A_185 : vector<1024x128xi32>
    %jit3A_187 = arith.constant 0xFF800000 : f32
    %broadcast_in_dim3A_188 = vector.broadcast %jit3A_187 : f32 to vector<1024x128xf32>
    %select_n3A_189 = arith.select %lt3A_186, %slice3A_182, %broadcast_in_dim3A_188 : vector<1024x128xi1>, vector<1024x128xf32>
    %jit3A_190 = arith.constant 0.000000e+00 : f32
    %broadcast_in_dim3A_191 = vector.broadcast %jit3A_190 : f32 to vector<1024x128xf32>
    %select_n3A_192 = arith.select %lt3A_186, %slice3A_182, %broadcast_in_dim3A_191 : vector<1024x128xi1>, vector<1024x128xf32>
    %max3A_193 = arith.maximumf %max3A_181, %select_n3A_189 : vector<1024x128xf32>
    %get3A_194 = arith.constant 0 : index
    %get3A_195 = arith.constant 0 : index
    %get3A_196 = vector.load %arg5[%get3A_194, %get3A_195] : memref<1024x128xf32, #tpu.memory_space<vmem>>, vector<1024x128xf32>
    %max3A_197 = arith.maximumf %get3A_196, %max3A_193 : vector<1024x128xf32>
    %get3A_198 = arith.constant 0 : index
    %get3A_199 = arith.constant 0 : index
    %get3A_200 = vector.load %arg6[%get3A_198, %get3A_199] : memref<1024x128xf32, #tpu.memory_space<vmem>>, vector<1024x128xf32>
    %sub3A_201 = arith.subf %get3A_196, %max3A_197 : vector<1024x128xf32>
    %exp3A = math.exp %sub3A_201 : vector<1024x128xf32>
    %mul3A_202 = arith.mulf %get3A_200, %exp3A : vector<1024x128xf32>
    %get3A_203 = arith.constant 0 : index
    %get3A_204 = arith.constant 0 : index
    %get3A_205 = vector.load %arg7[%get3A_203, %get3A_204] : memref<1024x128xf32, #tpu.memory_space<vmem>>, vector<1024x128xf32>
    %sub3A_206 = arith.subf %select_n3A, %max3A_197 : vector<1024x128xf32>
    %exp3A_207 = math.exp %sub3A_206 : vector<1024x128xf32>
    %add3A = arith.addf %mul3A_202, %exp3A_207 : vector<1024x128xf32>
    %add3A_208 = arith.addf %get3A_205, %select_n3A_13 : vector<1024x128xf32>
    %sub3A_209 = arith.subf %select_n3A_21, %max3A_197 : vector<1024x128xf32>
    %exp3A_210 = math.exp %sub3A_209 : vector<1024x128xf32>
    %add3A_211 = arith.addf %add3A, %exp3A_210 : vector<1024x128xf32>
    %add3A_212 = arith.addf %add3A_208, %select_n3A_24 : vector<1024x128xf32>
    %sub3A_213 = arith.subf %select_n3A_33, %max3A_197 : vector<1024x128xf32>
    %exp3A_214 = math.exp %sub3A_213 : vector<1024x128xf32>
    %add3A_215 = arith.addf %add3A_211, %exp3A_214 : vector<1024x128xf32>
    %add3A_216 = arith.addf %add3A_212, %select_n3A_36 : vector<1024x128xf32>
    %sub3A_217 = arith.subf %select_n3A_45, %max3A_197 : vector<1024x128xf32>
    %exp3A_218 = math.exp %sub3A_217 : vector<1024x128xf32>
    %add3A_219 = arith.addf %add3A_215, %exp3A_218 : vector<1024x128xf32>
    %add3A_220 = arith.addf %add3A_216, %select_n3A_48 : vector<1024x128xf32>
    %sub3A_221 = arith.subf %select_n3A_57, %max3A_197 : vector<1024x128xf32>
    %exp3A_222 = math.exp %sub3A_221 : vector<1024x128xf32>
    %add3A_223 = arith.addf %add3A_219, %exp3A_222 : vector<1024x128xf32>
    %add3A_224 = arith.addf %add3A_220, %select_n3A_60 : vector<1024x128xf32>
    %sub3A_225 = arith.subf %select_n3A_69, %max3A_197 : vector<1024x128xf32>
    %exp3A_226 = math.exp %sub3A_225 : vector<1024x128xf32>
    %add3A_227 = arith.addf %add3A_223, %exp3A_226 : vector<1024x128xf32>
    %add3A_228 = arith.addf %add3A_224, %select_n3A_72 : vector<1024x128xf32>
    %sub3A_229 = arith.subf %select_n3A_81, %max3A_197 : vector<1024x128xf32>
    %exp3A_230 = math.exp %sub3A_229 : vector<1024x128xf32>
    %add3A_231 = arith.addf %add3A_227, %exp3A_230 : vector<1024x128xf32>
    %add3A_232 = arith.addf %add3A_228, %select_n3A_84 : vector<1024x128xf32>
    %sub3A_233 = arith.subf %select_n3A_93, %max3A_197 : vector<1024x128xf32>
    %exp3A_234 = math.exp %sub3A_233 : vector<1024x128xf32>
    %add3A_235 = arith.addf %add3A_231, %exp3A_234 : vector<1024x128xf32>
    %add3A_236 = arith.addf %add3A_232, %select_n3A_96 : vector<1024x128xf32>
    %sub3A_237 = arith.subf %select_n3A_105, %max3A_197 : vector<1024x128xf32>
    %exp3A_238 = math.exp %sub3A_237 : vector<1024x128xf32>
    %add3A_239 = arith.addf %add3A_235, %exp3A_238 : vector<1024x128xf32>
    %add3A_240 = arith.addf %add3A_236, %select_n3A_108 : vector<1024x128xf32>
    %sub3A_241 = arith.subf %select_n3A_117, %max3A_197 : vector<1024x128xf32>
    %exp3A_242 = math.exp %sub3A_241 : vector<1024x128xf32>
    %add3A_243 = arith.addf %add3A_239, %exp3A_242 : vector<1024x128xf32>
    %add3A_244 = arith.addf %add3A_240, %select_n3A_120 : vector<1024x128xf32>
    %sub3A_245 = arith.subf %select_n3A_129, %max3A_197 : vector<1024x128xf32>
    %exp3A_246 = math.exp %sub3A_245 : vector<1024x128xf32>
    %add3A_247 = arith.addf %add3A_243, %exp3A_246 : vector<1024x128xf32>
    %add3A_248 = arith.addf %add3A_244, %select_n3A_132 : vector<1024x128xf32>
    %sub3A_249 = arith.subf %select_n3A_141, %max3A_197 : vector<1024x128xf32>
    %exp3A_250 = math.exp %sub3A_249 : vector<1024x128xf32>
    %add3A_251 = arith.addf %add3A_247, %exp3A_250 : vector<1024x128xf32>
    %add3A_252 = arith.addf %add3A_248, %select_n3A_144 : vector<1024x128xf32>
    %sub3A_253 = arith.subf %select_n3A_153, %max3A_197 : vector<1024x128xf32>
    %exp3A_254 = math.exp %sub3A_253 : vector<1024x128xf32>
    %add3A_255 = arith.addf %add3A_251, %exp3A_254 : vector<1024x128xf32>
    %add3A_256 = arith.addf %add3A_252, %select_n3A_156 : vector<1024x128xf32>
    %sub3A_257 = arith.subf %select_n3A_165, %max3A_197 : vector<1024x128xf32>
    %exp3A_258 = math.exp %sub3A_257 : vector<1024x128xf32>
    %add3A_259 = arith.addf %add3A_255, %exp3A_258 : vector<1024x128xf32>
    %add3A_260 = arith.addf %add3A_256, %select_n3A_168 : vector<1024x128xf32>
    %sub3A_261 = arith.subf %select_n3A_177, %max3A_197 : vector<1024x128xf32>
    %exp3A_262 = math.exp %sub3A_261 : vector<1024x128xf32>
    %add3A_263 = arith.addf %add3A_259, %exp3A_262 : vector<1024x128xf32>
    %add3A_264 = arith.addf %add3A_260, %select_n3A_180 : vector<1024x128xf32>
    %sub3A_265 = arith.subf %select_n3A_189, %max3A_197 : vector<1024x128xf32>
    %exp3A_266 = math.exp %sub3A_265 : vector<1024x128xf32>
    %add3A_267 = arith.addf %add3A_263, %exp3A_266 : vector<1024x128xf32>
    %add3A_268 = arith.addf %add3A_264, %select_n3A_192 : vector<1024x128xf32>
    %swap3A = arith.constant 0 : index
    %swap3A_269 = arith.constant 0 : index
    %swap3A_270 = vector.load %arg5[%swap3A, %swap3A_269] : memref<1024x128xf32, #tpu.memory_space<vmem>>, vector<1024x128xf32>
    tpu.vector_store %arg5[%swap3A, %swap3A_269], %max3A_197 {strides = array<i32>} : memref<1024x128xf32, #tpu.memory_space<vmem>>, vector<1024x128xf32>,
    %swap3A_271 = arith.constant 0 : index
    %swap3A_272 = arith.constant 0 : index
    %swap3A_273 = vector.load %arg6[%swap3A_271, %swap3A_272] : memref<1024x128xf32, #tpu.memory_space<vmem>>, vector<1024x128xf32>
    tpu.vector_store %arg6[%swap3A_271, %swap3A_272], %add3A_267 {strides = array<i32>} : memref<1024x128xf32, #tpu.memory_space<vmem>>, vector<1024x128xf32>,
    %swap3A_274 = arith.constant 0 : index
    %swap3A_275 = arith.constant 0 : index
    %swap3A_276 = vector.load %arg7[%swap3A_274, %swap3A_275] : memref<1024x128xf32, #tpu.memory_space<vmem>>, vector<1024x128xf32>
    tpu.vector_store %arg7[%swap3A_274, %swap3A_275], %add3A_268 {strides = array<i32>} : memref<1024x128xf32, #tpu.memory_space<vmem>>, vector<1024x128xf32>,
    %eq3A_277 = arith.constant 48 : i32
    %eq3A_278 = arith.cmpi eq, %arg0, %eq3A_277 : i32
    %convert_element_type3A_279 = arith.extui %eq3A_278 : i1 to i32
    %cond3A_280 = arith.constant 0 : i32
    %cond3A_281 = arith.cmpi ne, %convert_element_type3A_279, %cond3A_280 : i32
    scf.if %cond3A_281 {
      %reduce_max3A = arith.constant dense<0xFF800000> : vector<1024xf32>
      %reduce_max3A_282 = vector.multi_reduction <maximumf>, %max3A_197, %reduce_max3A [1] : vector<1024x128xf32> to vector<1024xf32>
      %broadcast_in_dim3A_283 = vector.shape_cast %reduce_max3A_282 : vector<1024xf32> to vector<1024x1xf32>
      %sub3A_284 = vector.broadcast %broadcast_in_dim3A_283 : vector<1024x1xf32> to vector<1024x128xf32>
      %sub3A_285 = arith.subf %max3A_197, %sub3A_284 : vector<1024x128xf32>
      %exp3A_286 = math.exp %sub3A_285 : vector<1024x128xf32>
      %mul3A_287 = arith.mulf %add3A_267, %exp3A_286 : vector<1024x128xf32>
      %reduce_sum3A = arith.constant dense<0.000000e+00> : vector<1024xf32>
      %reduce_sum3A_288 = vector.multi_reduction <add>, %mul3A_287, %reduce_sum3A [1] : vector<1024x128xf32> to vector<1024xf32>
      %broadcast_in_dim3A_289 = vector.shape_cast %reduce_sum3A_288 : vector<1024xf32> to vector<1024x1xf32>
      %reduce_sum3A_290 = arith.constant dense<0.000000e+00> : vector<1024xf32>
      %reduce_sum3A_291 = vector.multi_reduction <add>, %add3A_268, %reduce_sum3A_290 [1] : vector<1024x128xf32> to vector<1024xf32>
      %broadcast_in_dim3A_292 = vector.shape_cast %reduce_sum3A_291 : vector<1024xf32> to vector<1024x1xf32>
      %get3A_293 = arith.constant 0 : index
      %get3A_294 = arith.constant 0 : index
      %get3A_295 = vector.load %arg2[%get3A_293, %get3A_294] : memref<1024x1xf32, #tpu.memory_space<vmem>>, vector<1024x1xf32>
      %get3A_296 = arith.constant 0 : index
      %get3A_297 = arith.constant 0 : index
      %get3A_298 = vector.load %arg3[%get3A_296, %get3A_297] : memref<1024x1xf32, #tpu.memory_space<vmem>>, vector<1024x1xf32>
      %sub3A_299 = arith.subf %get3A_298, %get3A_295 : vector<1024x1xf32>
      %mul3A_300 = arith.constant 7.327960e-04 : f32
      %mul3A_301 = vector.broadcast %mul3A_300 : f32 to vector<1024x1xf32>
      %mul3A_302 = arith.mulf %sub3A_299, %mul3A_301 : vector<1024x1xf32>
      %add3A_303 = arith.addf %get3A_295, %mul3A_302 : vector<1024x1xf32>
      %max3A_304 = arith.maximumf %broadcast_in_dim3A_283, %add3A_303 : vector<1024x1xf32>
      %sub3A_305 = arith.subf %broadcast_in_dim3A_283, %max3A_304 : vector<1024x1xf32>
      %exp3A_306 = math.exp %sub3A_305 : vector<1024x1xf32>
      %mul3A_307 = arith.mulf %broadcast_in_dim3A_289, %exp3A_306 : vector<1024x1xf32>
      %sub3A_308 = arith.subf %add3A_303, %max3A_304 : vector<1024x1xf32>
      %exp3A_309 = math.exp %sub3A_308 : vector<1024x1xf32>
      %add3A_310 = arith.addf %mul3A_307, %exp3A_309 : vector<1024x1xf32>
      %sub3A_311 = arith.subf %get3A_295, %max3A_304 : vector<1024x1xf32>
      %exp3A_312 = math.exp %sub3A_311 : vector<1024x1xf32>
      %sub3A_313 = arith.subf %add3A_310, %exp3A_312 : vector<1024x1xf32>
      %log3A = math.log %sub3A_313 : vector<1024x1xf32>
      %add3A_314 = arith.addf %max3A_304, %log3A : vector<1024x1xf32>
      %sub3A_315 = arith.subf %add3A_303, %add3A_314 : vector<1024x1xf32>
      %mul3A_316 = arith.constant 0.899999976 : f32
      %mul3A_317 = vector.broadcast %mul3A_316 : f32 to vector<1024x1xf32>
      %mul3A_318 = arith.mulf %mul3A_317, %sub3A_315 : vector<1024x1xf32>
      %add3A_319 = arith.addf %broadcast_in_dim3A_292, %mul3A_302 : vector<1024x1xf32>
      %mul3A_320 = arith.constant 1.000000e+05 : f32
      %mul3A_321 = vector.broadcast %mul3A_320 : f32 to vector<1024x1xf32>
      %mul3A_322 = arith.mulf %mul3A_321, %add3A_314 : vector<1024x1xf32>
      %sub3A_323 = arith.subf %add3A_319, %mul3A_322 : vector<1024x1xf32>
      %mul3A_324 = arith.constant 9.99999997E-7 : f32
      %mul3A_325 = vector.broadcast %mul3A_324 : f32 to vector<1024x1xf32>
      %mul3A_326 = arith.mulf %mul3A_325, %sub3A_323 : vector<1024x1xf32>
      %add3A_327 = arith.addf %mul3A_318, %mul3A_326 : vector<1024x1xf32>
      %reduce_sum3A_328 = vector.shape_cast %add3A_327 : vector<1024x1xf32> to vector<1x1024x1xf32>
      %reduce_sum3A_329 = arith.constant dense<0.000000e+00> : vector<1xf32>
      %reduce_sum3A_330 = vector.multi_reduction <add>, %reduce_sum3A_328, %reduce_sum3A_329 [1, 2] : vector<1x1024x1xf32> to vector<1xf32>
      %reduce_sum3A_331 = vector.shape_cast %reduce_sum3A_330 : vector<1xf32> to vector<1x1x1xf32>
      %reduce_sum3A_332 = vector.extract %reduce_sum3A_331[0, 0, 0] : f32 from vector<1x1x1xf32>
      %broadcast_in_dim3A_333 = vector.broadcast %reduce_sum3A_332 : f32 to vector<1x1xf32>
      %neg3A = arith.constant 0.000000e+00 : f32
      %neg3A_334 = vector.broadcast %neg3A : f32 to vector<1x1xf32>
      %neg3A_335 = arith.subf %neg3A_334, %broadcast_in_dim3A_333 : vector<1x1xf32>
      %div3A = arith.constant 1.024000e+03 : f32
      %div3A_336 = vector.broadcast %div3A : f32 to vector<1x1xf32>
      %div3A_337 = arith.divf %neg3A_335, %div3A_336 : vector<1x1xf32>
      %swap3A_338 = arith.constant 0 : index
      %swap3A_339 = arith.constant 0 : index
      %swap3A_340 = vector.load %arg4[%swap3A_338, %swap3A_339] : memref<1x1xf32, #tpu.memory_space<vmem>>, vector<1x1xf32>
      tpu.vector_store %arg4[%swap3A_338, %swap3A_339], %div3A_337 {strides = array<i32>} : memref<1x1xf32, #tpu.memory_space<vmem>>, vector<1x1xf32>,
    } else {
    }
    return
  }
  func.func @transform_0(%arg0: i32) -> (i32, i32) {
    %c0_i32 = arith.constant 0 : i32
    %c0_i32_0 = arith.constant 0 : i32
    return %c0_i32, %arg0 : i32, i32
  }
  func.func @transform_1(%arg0: i32) -> (i32, i32) {
    %c0_i32 = arith.constant 0 : i32
    %c0_i32_0 = arith.constant 0 : i32
    %c0_i32_1 = arith.constant 0 : i32
    return %c0_i32, %c0_i32_0 : i32, i32
  }
  func.func @transform_2(%arg0: i32) -> (i32, i32) {
    %c0_i32 = arith.constant 0 : i32
    %c0_i32_0 = arith.constant 0 : i32
    %c0_i32_1 = arith.constant 0 : i32
    return %c0_i32, %c0_i32_0 : i32, i32
  }
  func.func @transform_3(%arg0: i32) -> (i32, i32) {
    %c0_i32 = arith.constant 0 : i32
    %c0_i32_0 = arith.constant 0 : i32
    %c0_i32_1 = arith.constant 0 : i32
    return %c0_i32, %c0_i32_0 : i32, i32
  }
}

</mosaic_0001>

<sc_bundles>
// kernel: kernel.4.cloned.1.call-start
scs
__scs_entry_jumppad:
0x0: {  	(pc) =	sbr.rel $0x88, $3  }
0x1: {  	(tag) =	ssettag $0x0;
	lr =	simm.s32 $0x1  }
0x2: {  	[smem:$0x3F9E] =	sst lr;
	_ =	strace $0xD0000000  }
0x3: {  	_ = 	snop  }
0x4: {  	_ = 	snop  }
0x5: {  	_ = 	snop  }
0x6: {  	_ = 	snop  }
0x7: {  	_ = 	snop  }
__scs_overlays_trampoline_lowered:
0x8: {  	[smem:$0x3FAD] =	sst s0  }
0x9: {  	[smem:$0x3FAE] =	sst s1  }
0xa: {  	[smem:$0x3FAF] =	sst s2  }
0xb: {  	[smem:$0x3FB0] =	sst s3  }
0xc: {  	[smem:$0x3FB1] =	sst s4  }
0xd: {  	[smem:$0x3FB2] =	sst s5  }
0xe: {  	[smem:$0x3FB3] =	sst s6  }
0xf: {  	[smem:$0x3FB4] =	sst s7  }
0x10: {  	[smem:$0x3FB5] =	sst s8  }
0x11: {  	[smem:$0x3FB6] =	sst s9;
	s0 =	simm.s32 @!p0 $0x0  }
0x12: {  	s1 =	sld [smem:$0x3F9C];
	s0 =	simm.s32 @p0 $0x1  }
0x13: {  	[smem:$0x3FB7] =	sst s0;
	s0 =	simm.s32 @!p1 $0x0  }
0x14: {  	s2 =	sld [smem:$0x3F9B];
	s0 =	simm.s32 @p1 $0x1  }
0x15: {  	[smem:$0x3FB8] =	sst s0;
	s0 =	simm.s32 @!p2 $0x0  }
0x16: {  	s3 =	sld [smem:$0x3FDB];
	s0 =	simm.s32 @p2 $0x1  }
0x17: {  	s4 =	simm.s32 $0x1BF5;
	[smem:$0x3FBA] =	sst s0  }
0x18: {  	s0 =	sld [smem:$0x3F9D];
	_ =	swait.ge [sflag:s4], $0x0  }
0x19: {  	s7 =	sld [smem:$0x3F9E]  }
0x1a: {  	s8 =	sadd.s32 $0xFFFFE003, lr  }
0x1b: {  	s9 =	sadd.s32 $0xFFFFFEF7, lr;
	s5 =	simm.s32 $0xFFFFFFFF;
	p2 =	slt.u32 s8, $0xFFFFF086  }
0x1c: {  	p1 =	slt.u32 s9, $0xF7A;
	s5 =	simm.s32 @!p2 $0x0  }
0x1d: {  	s5 =	simm.s32 @p1 $0x1;
	p0 =	seq.s32 s7, s2  }
0x1e: {  	s7 =	smul.u32 @!p0 $0xF7A, s2;
	p2 =	seq.s32 @!p0 s5, $0x0  }
0x1f: {  	s9 =	smul.u32 $0xF7A, s1;
	s8 =	simm.s32 @!p0 $0x1BF5;
	p2 =	por !p2, p0  }
0x20: {  	[sflag:s8] =	ssyncset.s32 @!p0 $0xFFFFF086;
	s6 =	sadd.s32 @!p0 s3, s7;
	s7 =	simm.s32 @!p0 $0x108  }
0x21: {  	s3 =	sadd.s32 s3, s9;
	s6 =	sadd.s32 @!p0 $0x88, s6;
	s7 =	simm.s32 @p2 $0x1082  }
0x22: {  	[simem:s7], [sflag:s8] =	dma.local @!p0 [hbm:s6], $0xF7A  }
0x23: {  	s9 =	sor.u32 $0xD0000000, s2;
	s6 =	simm.s32 $0x108;
	_ =	swait.ge @!p0 [sflag:s8], $0x0  }
0x24: {  	s3 =	sadd.s32 $0x88, s3;
	s6 =	simm.s32 @!p1 $0x1082;
	[sflag:s4] =	ssyncset.s32 $0xFFFFF086  }
0x25: {  	[simem:s6], [sflag:s4] =	dma.local [hbm:s3], $0xF7A  }
0x26: {  	[smem:$0x3F9E] =	sst s1;
	(tag) =	ssettag s2;
	_ =	strace s9  }
0x27: {  	s1 =	sld [smem:$0x3FAE]  }
0x28: {  	s2 =	sld [smem:$0x3FAF]  }
0x29: {  	s4 =	sld [smem:$0x3FB1]  }
0x2a: {  	p0 =	seq.s32 s5, $0x0;
	s5 =	sld [smem:$0x3FB2]  }
0x2b: {  	s6 =	sld [smem:$0x3FB3]  }
0x2c: {  	s7 =	sld [smem:$0x3FB4]  }
0x2d: {  	s3 =	simm.s32 $0x108;
	s8 =	sld [smem:$0x3FB5]  }
0x2e: {  	s3 =	simm.s32 @!p0 $0x1082;
	s9 =	sld [smem:$0x3FB6]  }
0x2f: {  	lr =	sadd.s32 s0, s3;
	s0 =	sld [smem:$0x3FAD]  }
0x30: {  	s3 =	sld [smem:$0x3FB0]  }
0x31: {  	[smem:$0x3FB9] =	sst s10  }
0x32: {  	s10 =	sld [smem:$0x3FB7];
	_ =	sdelay $0x3  }
0x33: {  	p0 =	seq.s32 s10, $0x1;
	s10 =	sld [smem:$0x3FB9];
	_ =	sdelay $0x3  }
0x34: {  	[smem:$0x3FB9] =	sst s10  }
0x35: {  	s10 =	sld [smem:$0x3FB8];
	_ =	sdelay $0x3  }
0x36: {  	p1 =	seq.s32 s10, $0x1;
	s10 =	sld [smem:$0x3FB9];
	_ =	sdelay $0x3  }
0x37: {  	[smem:$0x3FB9] =	sst s10  }
0x38: {  	s10 =	sld [smem:$0x3FBA]  }
0x39: {  	_ = 	snop;
	(pc) =	sbr.ind lr, $3  }
0x3a: {  	_ = 	snop  }
0x3b: {  	_ = 	snop  }
0x3c: {  	p2 =	seq.s32 s10, $0x1;
	s10 =	sld [smem:$0x3FB9]  }
0x3d: {  	_ =	shalt  }
0x3e: {  	_ =	shalt  }
0x3f: {  	_ =	shalt  }
0x40: {  	_ =	shalt  }
0x41: {  	_ =	shalt  }
0x42: {  	_ =	shalt  }
0x43: {  	_ =	shalt  }
0x44: {  	_ =	shalt  }
0x45: {  	_ =	shalt  }
0x46: {  	_ =	shalt  }
0x47: {  	_ =	shalt  }
0x48: {  	_ =	shalt  }
0x49: {  	_ =	shalt  }
0x4a: {  	_ =	shalt  }
0x4b: {  	_ =	shalt  }
0x4c: {  	_ =	shalt  }
0x4d: {  	_ =	shalt  }
0x4e: {  	_ =	shalt  }
0x4f: {  	_ =	shalt  }
0x50: {  	_ =	shalt  }
0x51: {  	_ =	shalt  }
0x52: {  	_ =	shalt  }
0x53: {  	_ =	shalt  }
0x54: {  	_ =	shalt  }
0x55: {  	_ =	shalt  }
0x56: {  	_ =	shalt  }
0x57: {  	_ =	shalt  }
0x58: {  	_ =	shalt  }
0x59: {  	_ =	shalt  }
0x5a: {  	_ =	shalt  }
0x5b: {  	_ =	shalt  }
0x5c: {  	_ =	shalt  }
0x5d: {  	_ =	shalt  }
0x5e: {  	_ =	shalt  }
0x5f: {  	_ =	shalt  }
0x60: {  	_ =	shalt  }
0x61: {  	_ =	shalt  }
0x62: {  	_ =	shalt  }
0x63: {  	_ =	shalt  }
0x64: {  	_ =	shalt  }
0x65: {  	_ =	shalt  }
0x66: {  	_ =	shalt  }
0x67: {  	_ =	shalt  }
0x68: {  	_ =	shalt  }
0x69: {  	_ =	shalt  }
0x6a: {  	_ =	shalt  }
0x6b: {  	_ =	shalt  }
0x6c: {  	_ =	shalt  }
0x6d: {  	_ =	shalt  }
0x6e: {  	_ =	shalt  }
0x6f: {  	_ =	shalt  }
0x70: {  	_ =	shalt  }
0x71: {  	_ =	shalt  }
0x72: {  	_ =	shalt  }
0x73: {  	_ =	shalt  }
0x74: {  	_ =	shalt  }
0x75: {  	_ =	shalt  }
0x76: {  	_ =	shalt  }
0x77: {  	_ =	shalt  }
0x78: {  	_ =	shalt  }
0x79: {  	_ =	shalt  }
0x7a: {  	_ =	shalt  }
0x7b: {  	_ =	shalt  }
0x7c: {  	_ =	shalt  }
0x7d: {  	_ =	shalt  }
0x7e: {  	_ =	shalt  }
0x7f: {  	_ =	shalt  }
0x80: {  	_ =	shalt  }
0x81: {  	_ =	shalt  }
0x82: {  	_ =	shalt  }
0x83: {  	_ =	shalt  }
0x84: {  	_ =	shalt  }
0x85: {  	_ =	shalt  }
0x86: {  	_ =	shalt  }
0x87: {  	_ =	shalt  }
.Lfunc_end0:
.L_simem_size_0:
called_computation_lowered:
.L_overlay_start_0:
0x88: {  	s2 =	sld [smem:$0x3FD9]  }
0x89: {  	s3 =	sld [smem:$0x3FFE];
	_ =	sdelay $0x1  }
0x8a: {  	s1 =	srdreg.scid  }
0x8b: {  	s0 =	sand.u32 $0x1, s1  }
0x8c: {  	s17 =	sshll.u32 s0, $0xA;
	s2 =	sadd.s32 s3, s2  }
0x8d: {  	s2 =	sadd.s32 s2, s17  }
0x8e: {  	[smem:$0x3FC5] =	sst s2  }
0x8f: {  	_ = 	snop  }
0x90: {  	s2 =	sld [smem:$0x3FC7];
	(tm) =	ssettm $0x1  }
0x91: {  	s18 =	sld [smem:$0x3FFB];
	_ =	sdelay $0x3  }
0x92: {  	_ =	strace s18  }
0x93: {  	s3 =	sld [smem:$0x3FFC];
	_ =	sdelay $0x3  }
0x94: {  	_ =	strace s3  }
0x95: {  	s3 =	sld [smem:$0x3FFD];
	_ =	sdelay $0x3  }
0x96: {  	_ =	strace s3  }
0x97: {  	_ =	strace $0x8FFFFFFF  }
0x98: {  	s19 =	sld [smem:$0x3FDB];
	_ =	sdelay $0x1  }
0x99: {  	s4 =	simm.s32 $_scs_section_size  }
0x9a: {  	s5 =	simm.s32 $_size__tile_overlayer_lowered;
	s6 =	simm.s32 $_tile_overlayer_lowered  }
0x9b: {  	s22 =	simm.s32 $0x1BFF;
	s21 =	sshll.u32 s6, $0x1;
	s3 =	sadd.s32 s4, s19  }
0x9c: {  	s7 =	simm.s32 $0x0;
	s20 =	sshll.u32 s5, $0x1;
	s5 =	sadd.s32 s21, s3  }
0x9d: {  	[timem:s7], [sflag:s22] =	dma.local [hbm:s5], s20  }
0x9e: {  	_ =	swait.ge [sflag:s22], s20  }
0x9f: {  	s4 =	ssub.s32 $0x0, s20;
	[sflag:s22] =	ssyncset.done $0x0  }
0xa0: {  	[sflag:s22] =	ssyncadd.s32 s4;
	_ =	sdelay $0x1  }
0xa1: {  	s23 =	simm.s32 $0x1B8B  }
0xa2: {  	_ =	swait.ge [sflag:s23], $0x1  }
0xa3: {  	[sflag:s23] =	ssyncset.done $0x0  }
0xa4: {  	s25 =	simm.s32 $0x1B8E;
	s24 =	sld [smem:$0x3FFE];
	[sflag:s23] =	ssyncadd.s32 $0xFFFFFFFF  }
0xa5: {  	s26 =	simm.s32 $execute0_lowered;
	[smem:$0x3FD2] =	sst s25  }
0xa6: {  	s5 =	sshll.u32 s26, $0x1;
	_ =	strace $0x80000046;
	[dreg:$0x1] =	wrdreg $0xFFFFFFFF  }
0xa7: {  	s28 =	simm.s32 $_size_execute0_lowered;
	s3 =	sadd.s32 s3, s5;
	[dreg:$0x0] =	wrdreg $0x0  }
0xa8: {  	s5 =	sshll.u32 s28, $0x1;
	[dreg:$0x2] =	wrdreg s3  }
0xa9: {  	[dreg:$0x3] =	wrdreg s5  }
0xaa: {  	[dreg:$0x4] =	wrdreg $0xC0  }
0xab: {  	_ =	task [dreg:s7], $0x5FFFF  }
0xac: {  	[dreg:$0x1] =	wrdreg $0xFFFFFFFF  }
0xad: {  	[dreg:$0x0] =	wrdreg $0x60  }
0xae: {  	[dreg:$0x2] =	wrdreg s24  }
0xaf: {  	[dreg:$0x3] =	wrdreg s2  }
0xb0: {  	[dreg:$0x4] =	wrdreg $0x9  }
0xb1: {  	_ =	task.clear_ibuf [dreg:s7], $0x5FFFF;
	_ =	strace $0x90000046  }
0xb2: {  	s29 =	simm.s32 $0x9;
	_ =	strace $0x80000048  }
0xb3: {  	_ =	swait.ge [sflag:s29], $0x1  }
0xb4: {  	[sflag:s29] =	ssyncadd.s32 $0xFFFFFFFF  }
0xb5: {  	_ =	strace $0x90000048  }
0xb6: {  	_ =	sfence  }
0xb7: {  	s30 =	sld [smem:$0x0];
	_ =	sdelay $0x2  }
0xb8: {  	s31 =	sshll.u32 s1, $0xD;
	s1 =	sshrl.u32 s1, $0x2  }
0xb9: {  	s3 =	sand.u32 $0x4000, s31;
	s1 =	sadd.s32 s1, s30  }
0xba: {  	s0 =	sor.u32 s3, s0;
	s1 =	sshll.u32 s1, $0x11  }
0xbb: {  	s0 =	sor.u32 s1, s0  }
0xbc: {  	s0 =	sadd.s32 $0x8F2B, s0  }
0xbd: {  	[sflag:s0] =	ssyncadd.remote.s32 $0x1  }
0xbe: {  	_ =	sfence.sel $0xFFFF  }
0xbf: {  	[dreg:$0x0] =	wrdreg $0xFFFFFFFF;
	(pc) =	sbr.abs _section_cstart, $3  }
0xc0: {  	[dreg:$0x1] =	wrdreg $0xFFFFFFFF  }
0xc1: {  	_ =	task.clear_ibuf [dreg:s7], $0x2FFFF;
	_ =	strace $0x9FFFFFFF  }
0xc2: {  	(tm) =	ssettm $0x7FFFFFFF  }
0xc3: {  	_ =	shalt  }
tec
execute0_lowered:
.L_overlay_start_1:
0x0: {  	(tag) =	ssettag $0x1  }
0x1: {  	s1 =	srdreg.scid  }
0x2: {  	s13 =	rddreg [dreg:$0x0];
	s0 =	stileid.u32;
	s14 =	sand.u32 $0x1, s1  }
0x3: {  	s3 =	rddreg [dreg:$0x1];
	s4 =	sshll.u32 s0, $0x6;
	s5 =	sshll.u32 s14, $0x5  }
0x4: {  	s2 =	simm.s32 $0x0;
	s1 =	rddreg [dreg:$0x2];
	s5 =	sor.u32 s5, s4  }
0x5: {  	[smem:$0x7FF] =	sst s2;
	s15 =	sshrl.u32 s5, $0x3  }
0x6: {  	_ =	strace $0x80000047;
	s4 =	sadd.s32 s3, s15;
	s3 =	simm.s32 $0x3  }
0x7: {  	[tilespmem:s2], [sflag:$0x3] =	stream.linear.gather [hbm4b:s4+s2], $0x20, $0x38;
	[tilespmem:$0x200] =	vst v63  }
0x8: {  	_ =	swait.ge [sflag:s3], $0x20  }
0x9: {  	[sflag:s3] =	ssyncset.done $0x0  }
0xa: {  	v0 =	vmov s5;
	s5 =	sor.u32 $0x10, s5;
	[sflag:s3] =	ssyncadd.s32 $0xFFFFFFE0  }
0xb: {  	v0 =	vmul.u32 $0x186A0, v0;
	v1 =	vmov s5;
	v2 =	vld [tilespmem:$0x0]  }
0xc: {  	v3 =	vlaneseq.u32;
	v1 =	vmul.u32 $0x186A0, v1;
	v4 =	vld [tilespmem:$0x10]  }
0xd: {  	v3 =	vmul.u32 $0x186A0, v3;
	v0 =	vbroadcast v0, $0x0  }
0xe: {  	v1 =	vbroadcast v1, $0x0  }
0xf: {  	v0 =	vadd.s32 v3, v0  }
0x10: {  	v1 =	vadd.s32 v3, v1;
	v2 =	vadd.s32 v2, v0  }
0x11: {  	s6 =	simm.s32 $0x20;
	[tilespmem:$0x80] =	vst v2;
	v2 =	vadd.s32 v4, v1  }
0x12: {  	s7 =	simm.s32 $0x80;
	s8 =	simm.s32 $0x100;
	s5 =	sadd.s32 $0xC38800, s13;
	[tilespmem:$0x90] =	vst v2  }
0x13: {  	[tilespmem:s8], [sflag:$0x1] =	stream.indirect.gather [hbm4b:s5+s6], $0x1, s7, s6, $0xb8;
	[tilespmem:$0x200] =	vst v63  }
0x14: {  	s10 =	simm.s32 $0x180;
	s11 =	simm.s32 $0x1;
	s9 =	sadd.s32 $0x24A5800, s13  }
0x15: {  	[tilespmem:s10], [sflag:$0x2] =	stream.indirect.gather [hbm4b:s9+s6], $0x1, s7, s6, $0xb8;
	[tilespmem:$0x200] =	vst v63  }
0x16: {  	_ =	swait.ge [sflag:s11], $0x20  }
0x17: {  	s14 =	ssub.s32 $0x2, s14;
	[sflag:s11] =	ssyncset.done $0x0  }
0x18: {  	s12 =	simm.s32 $0x2;
	s16 =	sshrl.u32 s14, $0x1;
	[sflag:s11] =	ssyncadd.s32 $0xFFFFFFE0  }
0x19: {  	s16 =	ssub.s32 s14, s16;
	_ =	swait.ge [sflag:s12], $0x20  }
0x1a: {  	s15 =	sadd.s32 s15, s13;
	s31 =	smax.u32 s16, $0x1;
	[sflag:s12] =	ssyncset.done $0x0  }
0x1b: {  	s13 =	sadd.s32 $0x186DA00, s15;
	p0 =	sne.s32 s31, $0x1;
	[sflag:s12] =	ssyncadd.s32 $0xFFFFFFE0  }
0x1c: {  	[hbm4b:s13+s2] =	stream.linear.scatter [tilespmem:s8], [sflag:$0x3], $0x20, $0x38;
	[tilespmem:$0x200] =	vst v63  }
.Ltmp0:
0x1d: {  	_ =	swait.ge [sflag:s3], $0x20;
	(pc) =	sbr.rel @!p0 .LBB2_2-.Ltmp0, $4  }
0x1e: {  	[sflag:s3] =	ssyncset.done $0x0  }
0x1f: {  	s14 =	sadd.s32 $0x186D800, s15;
	[sflag:s3] =	ssyncadd.s32 $0xFFFFFFE0  }
0x20: {  	[hbm4b:s14+s2] =	stream.linear.scatter [tilespmem:s10], [sflag:$0x3], $0x20, $0x38;
	[tilespmem:$0x200] =	vst v63  }
0x21: {  	s15 =	sadd.s32 $0xFFFFFFFF, s31;
	_ =	swait.ge [sflag:s3], $0x20  }
.LBB2_1:
0x22: {  	p0 =	sne.s32 s15, $0x1;
	s15 =	sadd.s32 $0xFFFFFFFF, s15;
	[sflag:s3] =	ssyncset.done $0x0  }
0x23: {  	[sflag:s3] =	ssyncadd.s32 $0xFFFFFFE0  }
0x24: {  	[tilespmem:s2], [sflag:$0x3] =	stream.linear.gather [hbm4b:s4+s2], $0x20, $0x38;
	[tilespmem:$0x200] =	vst v63  }
0x25: {  	_ =	swait.ge [sflag:s3], $0x20  }
0x26: {  	[sflag:s3] =	ssyncset.done $0x0  }
0x27: {  	[sflag:s3] =	ssyncadd.s32 $0xFFFFFFE0  }
0x28: {  	v2 =	vld [tilespmem:$0x0]  }
0x29: {  	v3 =	vld [tilespmem:$0x10];
	_ =	sdelay $0x3  }
0x2a: {  	v2 =	vadd.s32 v2, v0  }
0x2b: {  	[tilespmem:$0x80] =	vst v2;
	v2 =	vadd.s32 v3, v1  }
0x2c: {  	[tilespmem:$0x90] =	vst v2  }
0x2d: {  	[tilespmem:s8], [sflag:$0x1] =	stream.indirect.gather [hbm4b:s5+s6], $0x1, s7, s6, $0xb8;
	[tilespmem:$0x200] =	vst v63  }
0x2e: {  	_ = 	snop  }
0x2f: {  	[tilespmem:s10], [sflag:$0x2] =	stream.indirect.gather [hbm4b:s9+s6], $0x1, s7, s6, $0xb8;
	[tilespmem:$0x200] =	vst v63  }
0x30: {  	_ =	swait.ge [sflag:s11], $0x20  }
0x31: {  	[sflag:s11] =	ssyncset.done $0x0  }
0x32: {  	[sflag:s11] =	ssyncadd.s32 $0xFFFFFFE0  }
0x33: {  	_ =	swait.ge [sflag:s12], $0x20  }
0x34: {  	[sflag:s12] =	ssyncset.done $0x0  }
0x35: {  	[sflag:s12] =	ssyncadd.s32 $0xFFFFFFE0  }
0x36: {  	[hbm4b:s13+s2] =	stream.linear.scatter [tilespmem:s8], [sflag:$0x3], $0x20, $0x38;
	[tilespmem:$0x200] =	vst v63  }
.Ltmp1:
0x37: {  	_ =	swait.ge [sflag:s3], $0x20;
	(pc) =	sbr.rel @p0 .LBB2_1-.Ltmp1, $4  }
0x38: {  	[sflag:s3] =	ssyncset.done $0x0  }
0x39: {  	[sflag:s3] =	ssyncadd.s32 $0xFFFFFFE0  }
0x3a: {  	[hbm4b:s14+s2] =	stream.linear.scatter [tilespmem:s10], [sflag:$0x3], $0x20, $0x38;
	[tilespmem:$0x200] =	vst v63  }
0x3b: {  	_ =	swait.ge [sflag:s3], $0x20  }
.LBB2_2:
0x3c: {  	[sflag:s3] =	ssyncset.done $0x0  }
0x3d: {  	[sflag:s3] =	ssyncadd.s32 $0xFFFFFFE0  }
0x3e: {  	_ =	sfence.sel $0x180000  }
0x3f: {  	[bflag:$0x0] =	sbarrier.arrive $0xFFFF  }
0x40: {  	p0 =	sne.s32 s0, $0x0;
	_ =	strace $0x90000047  }
0x41: {  	s0 =	sadd.s32 @!p0 $0x100000, s1;
	[bflag:$0x2] =	sbarrier.arrive $0xFFFF  }
0x42: {  	[sflag:s0] =	ssyncadd.tile.s32 @!p0 $0x1;
	_ =	shalt  }
.Lfunc_end2:
_tile_overlayer_lowered:
.L_overlay_start_2:
0x43: {  	(tag) =	ssettag $0x2  }
0x44: {  	s0 =	rddreg [dreg:$0x0];
	s2 =	stileid.u32  }
0x45: {  	s1 =	rddreg [dreg:$0x1];
	p0 =	sne.s32 s2, $0x0  }
0x46: {  	s3 =	rddreg [dreg:$0x2];
	[bflag:$0x3] =	sbarrier.arrive $0xFFFF;
	s2 =	simm.s32 @!p0 $0x1C03  }
0x47: {  	[timem:s3], [sflag:s2] =	dma.local @!p0 [hbm:s0], s1  }
0x48: {  	s0 =	simm.s32 @!p0 $0x3  }
0x49: {  	_ =	swait.ge @!p0 [sflag:s0], s1  }
0x4a: {  	s1 =	ssub.s32 @!p0 $0x0, s1;
	[sflag:s0] =	ssyncset.done @!p0 $0x0  }
0x4b: {  	[sflag:s0] =	ssyncadd.s32 @!p0 s1  }
0x4c: {  	[bflag:$0x3] =	sbarrier.arrive $0xFFFF  }
0x4d: {  	_ =	shalt  }

</sc_bundles>
